<compile_context>
chip_gen: v7x
topology: tpu7x:2x2x1
jax: 0.10.2.dev20260603
libtpu: 0.0.44.dev20260713+nightly
codegen_flags: <defaults>
</compile_context>

<pallas_src>
import functools

import jax
import jax.numpy as jnp
from jax import lax
from jax.experimental import pallas as pl
from jax.experimental.pallas import tpu as pltpu
from jax.experimental.pallas import tpu_sc as plsc

_C = 125
_NSUB = 16
_NCORE = 2




def _tc_mm0(x, Ws, Wn, b, *, bn=1000):
    n = x.shape[0]
    nb = n // bn

    def body(x_ref, ws_ref, wn_ref, b_ref, xs_ref, y2_ref):
        h = x_ref[...]
        xs_ref[...] = (
            jnp.dot(h, ws_ref[...], preferred_element_type=jnp.float32)
            + b_ref[...]
        )
        y2_ref[...] = jnp.dot(h, wn_ref[...], preferred_element_type=jnp.float32)

    return pl.pallas_call(
        body,
        grid=(nb, 2),
        in_specs=[
            pl.BlockSpec((bn, 256), lambda i, j: (i, 0)),
            pl.BlockSpec((256, 128), lambda i, j: (0, j)),
            pl.BlockSpec((256, 128), lambda i, j: (0, j)),
            pl.BlockSpec((1, 128), lambda i, j: (0, j)),
        ],
        out_specs=[
            pl.BlockSpec((bn, 128), lambda i, j: (i, j)),
            pl.BlockSpec((bn, 128), lambda i, j: (j * nb + i, 0)),
        ],
        out_shape=[
            jax.ShapeDtypeStruct((n, 256), jnp.float32),
            jax.ShapeDtypeStruct((2 * n, 128), jnp.float32),
        ],
    )(x, Ws, Wn, b.reshape(1, 256))


def _tc_combine_mm(xs_prev, agg, deg, Ws, Wn, b, *, bn=1000):
    n = xs_prev.shape[0]
    nb = n // bn

    def body(xs_ref, a0_ref, a1_ref, d0_ref, d1_ref, ws_ref, wn_ref, b_ref,
             o_ref, y2_ref):
        inv = 1.0 / jnp.maximum(d0_ref[:, 0:1] + d1_ref[:, 0:1], 1.0)
        agg_full = jnp.concatenate([a0_ref[...], a1_ref[...]], axis=1)
        h = jnp.maximum(xs_ref[...] + agg_full * inv, 0.0)
        o_ref[...] = (
            jnp.dot(h, ws_ref[...], preferred_element_type=jnp.float32)
            + b_ref[...]
        )
        y2_ref[...] = jnp.dot(h, wn_ref[...], preferred_element_type=jnp.float32)

    return pl.pallas_call(
        body,
        grid=(nb, 2),
        in_specs=[
            pl.BlockSpec((bn, 256), lambda i, j: (i, 0)),
            pl.BlockSpec((bn, 128), lambda i, j: (i, 0)),
            pl.BlockSpec((bn, 128), lambda i, j: (nb + i, 0)),
            pl.BlockSpec((bn, 128), lambda i, j: (i, 0)),
            pl.BlockSpec((bn, 128), lambda i, j: (nb + i, 0)),
            pl.BlockSpec((256, 128), lambda i, j: (0, j)),
            pl.BlockSpec((256, 128), lambda i, j: (0, j)),
            pl.BlockSpec((1, 128), lambda i, j: (0, j)),
        ],
        out_specs=[
            pl.BlockSpec((bn, 128), lambda i, j: (i, j)),
            pl.BlockSpec((bn, 128), lambda i, j: (j * nb + i, 0)),
        ],
        out_shape=[
            jax.ShapeDtypeStruct((n, 256), jnp.float32),
            jax.ShapeDtypeStruct((2 * n, 128), jnp.float32),
        ],
    )(xs_prev, agg, agg, deg, deg, Ws, Wn, b.reshape(1, 256))


def _tc_final(xs_prev, agg, deg, *, bn=1000):
    n = xs_prev.shape[0]
    nb = n // bn

    def body(xs_ref, a0_ref, a1_ref, d0_ref, d1_ref, o_ref):
        inv = 1.0 / jnp.maximum(d0_ref[:, 0:1] + d1_ref[:, 0:1], 1.0)
        agg_full = jnp.concatenate([a0_ref[...], a1_ref[...]], axis=1)
        o_ref[...] = xs_ref[...] + agg_full * inv

    return pl.pallas_call(
        body,
        grid=(nb,),
        in_specs=[
            pl.BlockSpec((bn, 256), lambda i: (i, 0)),
            pl.BlockSpec((bn, 128), lambda i: (i, 0)),
            pl.BlockSpec((bn, 128), lambda i: (nb + i, 0)),
            pl.BlockSpec((bn, 128), lambda i: (i, 0)),
            pl.BlockSpec((bn, 128), lambda i: (nb + i, 0)),
        ],
        out_specs=pl.BlockSpec((bn, 256), lambda i: (i, 0)),
        out_shape=jax.ShapeDtypeStruct((n, 256), jnp.float32),
    )(xs_prev, agg, agg, deg, deg)



_B = 40


@functools.partial(jax.jit, static_argnames=("n", "e"))
def _sc_segment_sum(y2, src_pc, dst2, z128, *, n, e):
    nch = e // _C
    per_tile = nch // _NSUB
    nbatch = per_tile // _B
    rpt = (n // _NSUB) // 8 * 8
    rem = n - _NSUB * rpt

    mesh = plsc.VectorSubcoreMesh(core_axis_name="c", subcore_axis_name="s")

    def body(y2_h, src_h, dst_h, z128_h, agg_o,
             src_v, dst_v, rows_a, rows_b, acc,
             semg_a, semg_b, sems_a, sems_b):
        c = lax.axis_index("c")
        s = lax.axis_index("s")
        r0 = s * rpt
        rr = _NSUB * rpt

        pltpu.sync_copy(z128_h.at[pl.ds(r0, rpt)], acc.at[pl.ds(r0, rpt)])

        @pl.when(s == _NSUB - 1)
        def _():
            pltpu.sync_copy(z128_h.at[pl.ds(rr, rem)], acc.at[pl.ds(rr, rem)])

        plsc.subcore_barrier()

        rows = (rows_a, rows_b)
        semg = (semg_a, semg_b)
        sems = (sems_a, sems_b)

        def batch(bi, carry):
            base = s * per_tile + bi * _B
            pltpu.sync_copy(src_h.at[pl.ds(c * nch + base, _B)], src_v)
            pltpu.sync_copy(dst_h.at[pl.ds(base, _B)], dst_v)
            gdesc = [None, None]
            sdesc = [None, None]
            gdesc[0] = pltpu.async_copy(y2_h.at[src_v.at[0]], rows[0],
                                        semg[0])
            for kk in range(_B):
                b = kk & 1
                b1 = b ^ 1
                if kk + 1 < _B:
                    if sdesc[b1] is not None:
                        sdesc[b1].wait()
                    gdesc[b1] = pltpu.async_copy(
                        y2_h.at[src_v.at[kk + 1]], rows[b1], semg[b1])
                gdesc[b].wait()
                sdesc[b] = pltpu.async_copy(rows[b], acc.at[dst_v.at[kk]],
                                            sems[b], add=True)
            sdesc[0].wait()
            sdesc[1].wait()
            return carry

        lax.fori_loop(0, nbatch, batch, 0)
        plsc.subcore_barrier()

        pltpu.sync_copy(acc.at[pl.ds(r0, rpt)],
                        agg_o.at[pl.ds(c * n + r0, rpt)])

        @pl.when(s == _NSUB - 1)
        def _():
            pltpu.sync_copy(acc.at[pl.ds(rr, rem)],
                            agg_o.at[pl.ds(c * n + rr, rem)])

    fn = pl.kernel(
        body,
        out_type=jax.ShapeDtypeStruct((2 * n, 128), jnp.float32),
        mesh=mesh,
        scratch_types=[
            pltpu.VMEM((_B, _C), jnp.int32),
            pltpu.VMEM((_B, _C), jnp.int32),
            pltpu.VMEM((_C, 128), jnp.float32),
            pltpu.VMEM((_C, 128), jnp.float32),
            pltpu.VMEM_SHARED((n + 8, 128), jnp.float32),
            pltpu.SemaphoreType.DMA, pltpu.SemaphoreType.DMA,
            pltpu.SemaphoreType.DMA, pltpu.SemaphoreType.DMA,
        ],
    )
    return fn(y2, src_pc, dst2, z128)


@functools.partial(jax.jit, static_argnames=("n", "e"))
def _sc_degree(dst2, ones128, z128, *, n, e):
    nch = e // _C
    half = nch // 2
    per_tile = half // _NSUB
    db = 8
    nbatch = per_tile // db
    rpt = (n // _NSUB) // 8 * 8
    rem = n - _NSUB * rpt

    mesh = plsc.VectorSubcoreMesh(core_axis_name="c", subcore_axis_name="s")

    def body(dst_h, ones_h, z128_h, deg_o, dst_v, ones_v, accd, sem):
        c = lax.axis_index("c")
        s = lax.axis_index("s")
        r0 = s * rpt
        rr = _NSUB * rpt

        pltpu.sync_copy(z128_h.at[pl.ds(r0, rpt)], accd.at[pl.ds(r0, rpt)])
        pltpu.sync_copy(ones_h, ones_v)

        @pl.when(s == _NSUB - 1)
        def _():
            pltpu.sync_copy(z128_h.at[pl.ds(rr, rem)], accd.at[pl.ds(rr, rem)])

        plsc.subcore_barrier()

        def batch(bi, carry):
            base = c * half + s * per_tile + bi * db
            pltpu.sync_copy(dst_h.at[pl.ds(base, db)], dst_v)
            for kk in range(db):
                pltpu.async_copy(ones_v, accd.at[dst_v.at[kk]], sem, add=True)
            for kk in range(db):
                pltpu.make_async_copy(ones_v, accd.at[dst_v.at[kk]],
                                      sem).wait()
            return carry

        lax.fori_loop(0, nbatch, batch, 0)
        plsc.subcore_barrier()
        pltpu.sync_copy(accd.at[pl.ds(r0, rpt)],
                        deg_o.at[pl.ds(c * n + r0, rpt)])

        @pl.when(s == _NSUB - 1)
        def _():
            pltpu.sync_copy(accd.at[pl.ds(rr, rem)],
                            deg_o.at[pl.ds(c * n + rr, rem)])

    fn = pl.kernel(
        body,
        out_type=jax.ShapeDtypeStruct((2 * n, 128), jnp.float32),
        mesh=mesh,
        scratch_types=[
            pltpu.VMEM((8, _C), jnp.int32),
            pltpu.VMEM((_C, 128), jnp.float32),
            pltpu.VMEM_SHARED((n + 8, 128), jnp.float32),
            pltpu.SemaphoreType.DMA,
        ],
    )
    return fn(dst2, ones128, z128)




def kernel(x, edge_index, Ws0, Wn0, b0, Ws1, Wn1, b1, Ws2, Wn2, b2):
    n = x.shape[0]
    e = edge_index.shape[1]
    src = edge_index[0].astype(jnp.int32)
    dst = edge_index[1].astype(jnp.int32)

    quantum = 256 * _C
    e_pad = -(-e // quantum) * quantum
    pad = e_pad - e
    src = jnp.concatenate([src, jnp.zeros((pad,), jnp.int32)])
    dst = jnp.concatenate([dst, jnp.full((pad,), n, jnp.int32)])
    src_pc = jnp.concatenate([src, src + n]).reshape(2 * (e_pad // _C), _C)
    dst2 = dst.reshape(e_pad // _C, _C)
    e = e_pad
    ones128 = jnp.ones((_C, 128), jnp.float32)
    z128 = jnp.zeros((n, 128), jnp.float32)

    deg = _sc_degree(dst2, ones128, z128, n=n, e=e)
    xs0, y0 = _tc_mm0(x, Ws0, Wn0, b0)
    agg0 = _sc_segment_sum(y0, src_pc, dst2, z128, n=n, e=e)
    xs1, y1 = _tc_combine_mm(xs0, agg0, deg, Ws1, Wn1, b1)
    agg1 = _sc_segment_sum(y1, src_pc, dst2, z128, n=n, e=e)
    xs2, y2 = _tc_combine_mm(xs1, agg1, deg, Ws2, Wn2, b2)
    agg2 = _sc_segment_sum(y2, src_pc, dst2, z128, n=n, e=e)
    return _tc_final(xs2, agg2, deg)

# --- scband reference (transcript-rebuilt; emitter-appended) ---
"""Pipeline reference for scband-auto-link-ppr-26061861552919 (READ-ONLY COPY).

The authoritative reference and input builder live on the scoring server;
editing this copy changes nothing except your own understanding.
"""

import jax, jax.numpy as jnp
import numpy as np

N = 10000
E = 160000
D_IN = 256
D_H = 256


def _sage_layer(x, src, dst, Ws, Wn, b):
    # GraphSAGE mean aggregation: h_i = x_i @ Ws + mean_{j in N(i)} x_j @ Wn + b
    msgs = x[src]
    agg = jax.ops.segment_sum(msgs, dst, num_segments=N)
    deg = jax.ops.segment_sum(jnp.ones((src.shape[0],), x.dtype), dst, num_segments=N)
    mean = agg / jnp.clip(deg, 1.0)[:, None]
    return x @ Ws + mean @ Wn + b


def setup_inputs(seed: int = 0):
    key = jax.random.key(seed)
    ks = jax.random.split(key, 16)
    x = jax.random.normal(ks[0], (N, D_IN), dtype=jnp.float32)
    edge_index = jax.random.randint(ks[1], (2, E), 0, N, dtype=jnp.int32)
    dims = [(D_IN, D_H), (D_H, D_H), (D_H, D_H)]
    inp = {"x": x, "edge_index": edge_index}
    for i, (din, dout) in enumerate(dims):
        s = 1.0 / np.sqrt(din)
        inp[f"Ws{i}"] = jax.random.normal(ks[2 + 3 * i], (din, dout), dtype=jnp.float32) * s
        inp[f"Wn{i}"] = jax.random.normal(ks[3 + 3 * i], (din, dout), dtype=jnp.float32) * s
        inp[f"b{i}"] = jnp.zeros((dout,), dtype=jnp.float32)
    return inp


def reference(x, edge_index, Ws0, Wn0, b0, Ws1, Wn1, b1, Ws2, Wn2, b2):
    src = edge_index[0]
    dst = edge_index[1]
    h = _sage_layer(x, src, dst, Ws0, Wn0, b0)
    h = jax.nn.relu(h)  # dropout p=0.0 -> identity
    h = _sage_layer(h, src, dst, Ws1, Wn1, b1)
    h = jax.nn.relu(h)
    h = _sage_layer(h, src, dst, Ws2, Wn2, b2)
    return h

if __name__ == "__main__":
    import jax
    _d = setup_inputs()
    print(jax.jit(kernel)(*tuple(_d.values())))

</pallas_src>

<mosaic_0001>
#map = affine_map<(d0, d1) -> (0, 0)>
module attributes {stable_mosaic.version = 14 : i64} {
  func.func @body(%arg0: i32, %arg1: i32, %arg2: memref<1280x125xi32, #tpu.memory_space<hbm>>, %arg3: memref<125x128xf32, #tpu.memory_space<hbm>>, %arg4: memref<10000x128xf32, #tpu.memory_space<hbm>>, %arg5: memref<20000x128xf32, #tpu.memory_space<hbm>>, %arg6: memref<8x125xi32, #tpu.memory_space<vmem>>, %arg7: memref<125x128xf32, #tpu.memory_space<vmem>>, %arg8: memref<10008x128xf32, #tpu.memory_space<vmem_shared>>, %arg9: memref<!tpu.dma_semaphore, #tpu.memory_space<semaphore_mem>>) attributes {dimension_semantics = [#tpu.dimension_semantics<core_parallel>, #tpu.dimension_semantics<subcore_parallel>], iteration_bounds = array<i64: 2, 16>, scalar_prefetch = 0 : i64, scratch_operands = 4 : i64, tpu.core_type = #tpu.core_type<sc_vector_subcore>, window_params = [{transform_indices = #map}, {transform_indices = #map}, {transform_indices = #map}, {transform_indices = #map}]} {
    %mul3A = arith.constant 624 : i32
    %mul3A_0 = arith.muli %arg1, %mul3A : i32
    "tpu.region"() ({
      %run_scoped3A = tpu.sem_alloc : memref<!tpu.dma_semaphore, #tpu.memory_space<semaphore_mem>>
      %dma_start3A = arith.constant 0 : i32
      %dma_start3A_16 = tpu.memref_slice %arg8[%mul3A_0, %dma_start3A] : memref<10008x128xf32, #tpu.memory_space<vmem_shared>> -> memref<624x128xf32, #tpu.memory_space<vmem_shared>>
      %dma_start3A_17 = arith.constant 0 : i32
      %dma_start3A_18 = tpu.memref_slice %arg4[%mul3A_0, %dma_start3A_17] : memref<10000x128xf32, #tpu.memory_space<hbm>> -> memref<624x128xf32, #tpu.memory_space<hbm>>
      tpu.enqueue_dma source(%dma_start3A_18 : memref<624x128xf32, #tpu.memory_space<hbm>>) target(%dma_start3A_16 : memref<624x128xf32, #tpu.memory_space<vmem_shared>>) target_semaphore(%run_scoped3A : memref<!tpu.dma_semaphore, #tpu.memory_space<semaphore_mem>>)
      %dma_wait3A = arith.constant 0 : i32
      %dma_wait3A_19 = tpu.memref_slice %arg8[%mul3A_0, %dma_wait3A] : memref<10008x128xf32, #tpu.memory_space<vmem_shared>> -> memref<624x128xf32, #tpu.memory_space<vmem_shared>>
      %dma_wait3A_20 = arith.constant 0 : i32
      %dma_wait3A_21 = tpu.memref_slice %arg4[%mul3A_0, %dma_wait3A_20] : memref<10000x128xf32, #tpu.memory_space<hbm>> -> memref<624x128xf32, #tpu.memory_space<hbm>>
      tpu.wait_dma2 semaphore(%run_scoped3A : memref<!tpu.dma_semaphore, #tpu.memory_space<semaphore_mem>>) src(%dma_wait3A_21 : memref<624x128xf32, #tpu.memory_space<hbm>>) dst(%dma_wait3A_19 : memref<624x128xf32, #tpu.memory_space<vmem_shared>>)
      tpu.yield
    }) : () -> ()
    "tpu.region"() ({
      %run_scoped3A = tpu.sem_alloc : memref<!tpu.dma_semaphore, #tpu.memory_space<semaphore_mem>>
      tpu.enqueue_dma source(%arg3 : memref<125x128xf32, #tpu.memory_space<hbm>>) target(%arg7 : memref<125x128xf32, #tpu.memory_space<vmem>>) target_semaphore(%run_scoped3A : memref<!tpu.dma_semaphore, #tpu.memory_space<semaphore_mem>>)
      tpu.wait_dma2 semaphore(%run_scoped3A : memref<!tpu.dma_semaphore, #tpu.memory_space<semaphore_mem>>) src(%arg3 : memref<125x128xf32, #tpu.memory_space<hbm>>) dst(%arg7 : memref<125x128xf32, #tpu.memory_space<vmem>>)
      tpu.yield
    }) : () -> ()
    %eq3A = arith.constant 15 : i32
    %eq3A_1 = arith.cmpi eq, %arg1, %eq3A : i32
    %convert_element_type3A = arith.extui %eq3A_1 : i1 to i32
    %cond3A = arith.constant 0 : i32
    %cond3A_2 = arith.cmpi ne, %convert_element_type3A, %cond3A : i32
    scf.if %cond3A_2 {
      "tpu.region"() ({
        %run_scoped3A = tpu.sem_alloc : memref<!tpu.dma_semaphore, #tpu.memory_space<semaphore_mem>>
        %dma_start3A = arith.constant 9984 : i32
        %dma_start3A_16 = arith.constant 0 : i32
        %dma_start3A_17 = tpu.memref_slice %arg8[%dma_start3A, %dma_start3A_16] : memref<10008x128xf32, #tpu.memory_space<vmem_shared>> -> memref<16x128xf32, #tpu.memory_space<vmem_shared>>
        %dma_start3A_18 = arith.constant 9984 : i32
        %dma_start3A_19 = arith.constant 0 : i32
        %dma_start3A_20 = tpu.memref_slice %arg4[%dma_start3A_18, %dma_start3A_19] : memref<10000x128xf32, #tpu.memory_space<hbm>> -> memref<16x128xf32, #tpu.memory_space<hbm>>
        tpu.enqueue_dma source(%dma_start3A_20 : memref<16x128xf32, #tpu.memory_space<hbm>>) target(%dma_start3A_17 : memref<16x128xf32, #tpu.memory_space<vmem_shared>>) target_semaphore(%run_scoped3A : memref<!tpu.dma_semaphore, #tpu.memory_space<semaphore_mem>>)
        %dma_wait3A = arith.constant 9984 : i32
        %dma_wait3A_21 = arith.constant 0 : i32
        %dma_wait3A_22 = tpu.memref_slice %arg8[%dma_wait3A, %dma_wait3A_21] : memref<10008x128xf32, #tpu.memory_space<vmem_shared>> -> memref<16x128xf32, #tpu.memory_space<vmem_shared>>
        %dma_wait3A_23 = arith.constant 9984 : i32
        %dma_wait3A_24 = arith.constant 0 : i32
        %dma_wait3A_25 = tpu.memref_slice %arg4[%dma_wait3A_23, %dma_wait3A_24] : memref<10000x128xf32, #tpu.memory_space<hbm>> -> memref<16x128xf32, #tpu.memory_space<hbm>>
        tpu.wait_dma2 semaphore(%run_scoped3A : memref<!tpu.dma_semaphore, #tpu.memory_space<semaphore_mem>>) src(%dma_wait3A_25 : memref<16x128xf32, #tpu.memory_space<hbm>>) dst(%dma_wait3A_22 : memref<16x128xf32, #tpu.memory_space<vmem_shared>>)
        tpu.yield
      }) : () -> ()
    } else {
    }
    %barrier3A = arith.constant 0 : index
    tpu.barrier barrier_id(%barrier3A)
    %scan3A = arith.constant 0 : i32
    %scan3A_3 = arith.constant 0 : i32
    %scan3A_4 = arith.constant 5 : i32
    %scan3A_5 = arith.addi %scan3A_3, %scan3A_4 : i32
    %scan3A_6 = arith.constant 1 : i32
    scf.for %scan3A_16 = %scan3A_3 to %scan3A_5 step %scan3A_6  : i32 {
      %mul3A_17 = arith.constant 640 : i32
      %mul3A_18 = arith.muli %arg0, %mul3A_17 : i32
      %mul3A_19 = arith.constant 40 : i32
      %mul3A_20 = arith.muli %arg1, %mul3A_19 : i32
      %add3A_21 = arith.addi %mul3A_18, %mul3A_20 : i32
      %mul3A_22 = arith.constant 8 : i32
      %mul3A_23 = arith.muli %scan3A_16, %mul3A_22 : i32
      %add3A_24 = arith.addi %add3A_21, %mul3A_23 : i32
      "tpu.region"() ({
        %run_scoped3A = tpu.sem_alloc : memref<!tpu.dma_semaphore, #tpu.memory_space<semaphore_mem>>
        %dma_start3A_135 = arith.constant 0 : i32
        %dma_start3A_136 = tpu.memref_slice %arg2[%add3A_24, %dma_start3A_135] : memref<1280x125xi32, #tpu.memory_space<hbm>> -> memref<8x125xi32, #tpu.memory_space<hbm>>
        %dma_start3A_137 = arith.constant 0 : i32
        %dma_start3A_138 = tpu.memref_slice %arg2[%add3A_24, %dma_start3A_137] : memref<1280x125xi32, #tpu.memory_space<hbm>> -> memref<8x125xi32, #tpu.memory_space<hbm>>
        tpu.enqueue_dma source(%dma_start3A_138 : memref<8x125xi32, #tpu.memory_space<hbm>>) target(%arg6 : memref<8x125xi32, #tpu.memory_space<vmem>>) target_semaphore(%run_scoped3A : memref<!tpu.dma_semaphore, #tpu.memory_space<semaphore_mem>>)
        %dma_wait3A_139 = arith.constant 0 : i32
        %dma_wait3A_140 = tpu.memref_slice %arg2[%add3A_24, %dma_wait3A_139] : memref<1280x125xi32, #tpu.memory_space<hbm>> -> memref<8x125xi32, #tpu.memory_space<hbm>>
        %dma_wait3A_141 = arith.constant 0 : i32
        %dma_wait3A_142 = tpu.memref_slice %arg2[%add3A_24, %dma_wait3A_141] : memref<1280x125xi32, #tpu.memory_space<hbm>> -> memref<8x125xi32, #tpu.memory_space<hbm>>
        tpu.wait_dma2 semaphore(%run_scoped3A : memref<!tpu.dma_semaphore, #tpu.memory_space<semaphore_mem>>) src(%dma_wait3A_142 : memref<8x125xi32, #tpu.memory_space<hbm>>) dst(%arg6 : memref<8x125xi32, #tpu.memory_space<vmem>>)
        tpu.yield
      }) : () -> ()
      %dma_start3A = arith.constant 0 : i32
      %dma_start3A_25 = arith.constant 0 : i32
      %dma_start3A_26 = tpu.memref_slice %arg6[%dma_start3A, %dma_start3A_25] : memref<8x125xi32, #tpu.memory_space<vmem>> -> memref<1x125xi32, #tpu.memory_space<vmem>>
      %dma_start3A_27 = tpu.memref_squeeze %dma_start3A_26 : memref<1x125xi32, #tpu.memory_space<vmem>> -> memref<125xi32, #tpu.memory_space<vmem>>
      %dma_start3A_28 = arith.constant 0 : i32
      %dma_start3A_29 = arith.constant 0 : i32
      %dma_start3A_30 = tpu.memref_slice %arg8[%dma_start3A_28, %dma_start3A_29] : memref<10008x128xf32, #tpu.memory_space<vmem_shared>> -> memref<10008x128xf32, #tpu.memory_space<vmem_shared>>
      tpu.enqueue_indirect_dma source(%arg7 : memref<125x128xf32, #tpu.memory_space<vmem>>) target(%dma_start3A_30 : memref<10008x128xf32, #tpu.memory_space<vmem_shared>>) offsets(%dma_start3A_27 : memref<125xi32, #tpu.memory_space<vmem>>) semaphore(%arg9 : memref<!tpu.dma_semaphore, #tpu.memory_space<semaphore_mem>>) {add = true}
      %dma_start3A_31 = arith.constant 1 : i32
      %dma_start3A_32 = arith.constant 0 : i32
      %dma_start3A_33 = tpu.memref_slice %arg6[%dma_start3A_31, %dma_start3A_32] : memref<8x125xi32, #tpu.memory_space<vmem>> -> memref<1x125xi32, #tpu.memory_space<vmem>>
      %dma_start3A_34 = tpu.memref_squeeze %dma_start3A_33 : memref<1x125xi32, #tpu.memory_space<vmem>> -> memref<125xi32, #tpu.memory_space<vmem>>
      %dma_start3A_35 = arith.constant 0 : i32
      %dma_start3A_36 = arith.constant 0 : i32
      %dma_start3A_37 = tpu.memref_slice %arg8[%dma_start3A_35, %dma_start3A_36] : memref<10008x128xf32, #tpu.memory_space<vmem_shared>> -> memref<10008x128xf32, #tpu.memory_space<vmem_shared>>
      tpu.enqueue_indirect_dma source(%arg7 : memref<125x128xf32, #tpu.memory_space<vmem>>) target(%dma_start3A_37 : memref<10008x128xf32, #tpu.memory_space<vmem_shared>>) offsets(%dma_start3A_34 : memref<125xi32, #tpu.memory_space<vmem>>) semaphore(%arg9 : memref<!tpu.dma_semaphore, #tpu.memory_space<semaphore_mem>>) {add = true}
      %dma_start3A_38 = arith.constant 2 : i32
      %dma_start3A_39 = arith.constant 0 : i32
      %dma_start3A_40 = tpu.memref_slice %arg6[%dma_start3A_38, %dma_start3A_39] : memref<8x125xi32, #tpu.memory_space<vmem>> -> memref<1x125xi32, #tpu.memory_space<vmem>>
      %dma_start3A_41 = tpu.memref_squeeze %dma_start3A_40 : memref<1x125xi32, #tpu.memory_space<vmem>> -> memref<125xi32, #tpu.memory_space<vmem>>
      %dma_start3A_42 = arith.constant 0 : i32
      %dma_start3A_43 = arith.constant 0 : i32
      %dma_start3A_44 = tpu.memref_slice %arg8[%dma_start3A_42, %dma_start3A_43] : memref<10008x128xf32, #tpu.memory_space<vmem_shared>> -> memref<10008x128xf32, #tpu.memory_space<vmem_shared>>
      tpu.enqueue_indirect_dma source(%arg7 : memref<125x128xf32, #tpu.memory_space<vmem>>) target(%dma_start3A_44 : memref<10008x128xf32, #tpu.memory_space<vmem_shared>>) offsets(%dma_start3A_41 : memref<125xi32, #tpu.memory_space<vmem>>) semaphore(%arg9 : memref<!tpu.dma_semaphore, #tpu.memory_space<semaphore_mem>>) {add = true}
      %dma_start3A_45 = arith.constant 3 : i32
      %dma_start3A_46 = arith.constant 0 : i32
      %dma_start3A_47 = tpu.memref_slice %arg6[%dma_start3A_45, %dma_start3A_46] : memref<8x125xi32, #tpu.memory_space<vmem>> -> memref<1x125xi32, #tpu.memory_space<vmem>>
      %dma_start3A_48 = tpu.memref_squeeze %dma_start3A_47 : memref<1x125xi32, #tpu.memory_space<vmem>> -> memref<125xi32, #tpu.memory_space<vmem>>
      %dma_start3A_49 = arith.constant 0 : i32
      %dma_start3A_50 = arith.constant 0 : i32
      %dma_start3A_51 = tpu.memref_slice %arg8[%dma_start3A_49, %dma_start3A_50] : memref<10008x128xf32, #tpu.memory_space<vmem_shared>> -> memref<10008x128xf32, #tpu.memory_space<vmem_shared>>
      tpu.enqueue_indirect_dma source(%arg7 : memref<125x128xf32, #tpu.memory_space<vmem>>) target(%dma_start3A_51 : memref<10008x128xf32, #tpu.memory_space<vmem_shared>>) offsets(%dma_start3A_48 : memref<125xi32, #tpu.memory_space<vmem>>) semaphore(%arg9 : memref<!tpu.dma_semaphore, #tpu.memory_space<semaphore_mem>>) {add = true}
      %dma_start3A_52 = arith.constant 4 : i32
      %dma_start3A_53 = arith.constant 0 : i32
      %dma_start3A_54 = tpu.memref_slice %arg6[%dma_start3A_52, %dma_start3A_53] : memref<8x125xi32, #tpu.memory_space<vmem>> -> memref<1x125xi32, #tpu.memory_space<vmem>>
      %dma_start3A_55 = tpu.memref_squeeze %dma_start3A_54 : memref<1x125xi32, #tpu.memory_space<vmem>> -> memref<125xi32, #tpu.memory_space<vmem>>
      %dma_start3A_56 = arith.constant 0 : i32
      %dma_start3A_57 = arith.constant 0 : i32
      %dma_start3A_58 = tpu.memref_slice %arg8[%dma_start3A_56, %dma_start3A_57] : memref<10008x128xf32, #tpu.memory_space<vmem_shared>> -> memref<10008x128xf32, #tpu.memory_space<vmem_shared>>
      tpu.enqueue_indirect_dma source(%arg7 : memref<125x128xf32, #tpu.memory_space<vmem>>) target(%dma_start3A_58 : memref<10008x128xf32, #tpu.memory_space<vmem_shared>>) offsets(%dma_start3A_55 : memref<125xi32, #tpu.memory_space<vmem>>) semaphore(%arg9 : memref<!tpu.dma_semaphore, #tpu.memory_space<semaphore_mem>>) {add = true}
      %dma_start3A_59 = arith.constant 5 : i32
      %dma_start3A_60 = arith.constant 0 : i32
      %dma_start3A_61 = tpu.memref_slice %arg6[%dma_start3A_59, %dma_start3A_60] : memref<8x125xi32, #tpu.memory_space<vmem>> -> memref<1x125xi32, #tpu.memory_space<vmem>>
      %dma_start3A_62 = tpu.memref_squeeze %dma_start3A_61 : memref<1x125xi32, #tpu.memory_space<vmem>> -> memref<125xi32, #tpu.memory_space<vmem>>
      %dma_start3A_63 = arith.constant 0 : i32
      %dma_start3A_64 = arith.constant 0 : i32
      %dma_start3A_65 = tpu.memref_slice %arg8[%dma_start3A_63, %dma_start3A_64] : memref<10008x128xf32, #tpu.memory_space<vmem_shared>> -> memref<10008x128xf32, #tpu.memory_space<vmem_shared>>
      tpu.enqueue_indirect_dma source(%arg7 : memref<125x128xf32, #tpu.memory_space<vmem>>) target(%dma_start3A_65 : memref<10008x128xf32, #tpu.memory_space<vmem_shared>>) offsets(%dma_start3A_62 : memref<125xi32, #tpu.memory_space<vmem>>) semaphore(%arg9 : memref<!tpu.dma_semaphore, #tpu.memory_space<semaphore_mem>>) {add = true}
      %dma_start3A_66 = arith.constant 6 : i32
      %dma_start3A_67 = arith.constant 0 : i32
      %dma_start3A_68 = tpu.memref_slice %arg6[%dma_start3A_66, %dma_start3A_67] : memref<8x125xi32, #tpu.memory_space<vmem>> -> memref<1x125xi32, #tpu.memory_space<vmem>>
      %dma_start3A_69 = tpu.memref_squeeze %dma_start3A_68 : memref<1x125xi32, #tpu.memory_space<vmem>> -> memref<125xi32, #tpu.memory_space<vmem>>
      %dma_start3A_70 = arith.constant 0 : i32
      %dma_start3A_71 = arith.constant 0 : i32
      %dma_start3A_72 = tpu.memref_slice %arg8[%dma_start3A_70, %dma_start3A_71] : memref<10008x128xf32, #tpu.memory_space<vmem_shared>> -> memref<10008x128xf32, #tpu.memory_space<vmem_shared>>
      tpu.enqueue_indirect_dma source(%arg7 : memref<125x128xf32, #tpu.memory_space<vmem>>) target(%dma_start3A_72 : memref<10008x128xf32, #tpu.memory_space<vmem_shared>>) offsets(%dma_start3A_69 : memref<125xi32, #tpu.memory_space<vmem>>) semaphore(%arg9 : memref<!tpu.dma_semaphore, #tpu.memory_space<semaphore_mem>>) {add = true}
      %dma_start3A_73 = arith.constant 7 : i32
      %dma_start3A_74 = arith.constant 0 : i32
      %dma_start3A_75 = tpu.memref_slice %arg6[%dma_start3A_73, %dma_start3A_74] : memref<8x125xi32, #tpu.memory_space<vmem>> -> memref<1x125xi32, #tpu.memory_space<vmem>>
      %dma_start3A_76 = tpu.memref_squeeze %dma_start3A_75 : memref<1x125xi32, #tpu.memory_space<vmem>> -> memref<125xi32, #tpu.memory_space<vmem>>
      %dma_start3A_77 = arith.constant 0 : i32
      %dma_start3A_78 = arith.constant 0 : i32
      %dma_start3A_79 = tpu.memref_slice %arg8[%dma_start3A_77, %dma_start3A_78] : memref<10008x128xf32, #tpu.memory_space<vmem_shared>> -> memref<10008x128xf32, #tpu.memory_space<vmem_shared>>
      tpu.enqueue_indirect_dma source(%arg7 : memref<125x128xf32, #tpu.memory_space<vmem>>) target(%dma_start3A_79 : memref<10008x128xf32, #tpu.memory_space<vmem_shared>>) offsets(%dma_start3A_76 : memref<125xi32, #tpu.memory_space<vmem>>) semaphore(%arg9 : memref<!tpu.dma_semaphore, #tpu.memory_space<semaphore_mem>>) {add = true}
      %dma_wait3A = arith.constant 0 : i32
      %dma_wait3A_80 = arith.constant 0 : i32
      %dma_wait3A_81 = tpu.memref_slice %arg6[%dma_wait3A, %dma_wait3A_80] : memref<8x125xi32, #tpu.memory_space<vmem>> -> memref<1x125xi32, #tpu.memory_space<vmem>>
      %dma_wait3A_82 = tpu.memref_squeeze %dma_wait3A_81 : memref<1x125xi32, #tpu.memory_space<vmem>> -> memref<125xi32, #tpu.memory_space<vmem>>
      %dma_wait3A_83 = arith.constant 0 : i32
      %dma_wait3A_84 = arith.constant 0 : i32
      %dma_wait3A_85 = tpu.memref_slice %arg8[%dma_wait3A_83, %dma_wait3A_84] : memref<10008x128xf32, #tpu.memory_space<vmem_shared>> -> memref<10008x128xf32, #tpu.memory_space<vmem_shared>>
      tpu.wait_indirect_dma semaphore(%arg9 : memref<!tpu.dma_semaphore, #tpu.memory_space<semaphore_mem>>) src(%arg7 : memref<125x128xf32, #tpu.memory_space<vmem>>) dst(%dma_wait3A_85 : memref<10008x128xf32, #tpu.memory_space<vmem_shared>>)
      %dma_wait3A_86 = arith.constant 1 : i32
      %dma_wait3A_87 = arith.constant 0 : i32
      %dma_wait3A_88 = tpu.memref_slice %arg6[%dma_wait3A_86, %dma_wait3A_87] : memref<8x125xi32, #tpu.memory_space<vmem>> -> memref<1x125xi32, #tpu.memory_space<vmem>>
      %dma_wait3A_89 = tpu.memref_squeeze %dma_wait3A_88 : memref<1x125xi32, #tpu.memory_space<vmem>> -> memref<125xi32, #tpu.memory_space<vmem>>
      %dma_wait3A_90 = arith.constant 0 : i32
      %dma_wait3A_91 = arith.constant 0 : i32
      %dma_wait3A_92 = tpu.memref_slice %arg8[%dma_wait3A_90, %dma_wait3A_91] : memref<10008x128xf32, #tpu.memory_space<vmem_shared>> -> memref<10008x128xf32, #tpu.memory_space<vmem_shared>>
      tpu.wait_indirect_dma semaphore(%arg9 : memref<!tpu.dma_semaphore, #tpu.memory_space<semaphore_mem>>) src(%arg7 : memref<125x128xf32, #tpu.memory_space<vmem>>) dst(%dma_wait3A_92 : memref<10008x128xf32, #tpu.memory_space<vmem_shared>>)
      %dma_wait3A_93 = arith.constant 2 : i32
      %dma_wait3A_94 = arith.constant 0 : i32
      %dma_wait3A_95 = tpu.memref_slice %arg6[%dma_wait3A_93, %dma_wait3A_94] : memref<8x125xi32, #tpu.memory_space<vmem>> -> memref<1x125xi32, #tpu.memory_space<vmem>>
      %dma_wait3A_96 = tpu.memref_squeeze %dma_wait3A_95 : memref<1x125xi32, #tpu.memory_space<vmem>> -> memref<125xi32, #tpu.memory_space<vmem>>
      %dma_wait3A_97 = arith.constant 0 : i32
      %dma_wait3A_98 = arith.constant 0 : i32
      %dma_wait3A_99 = tpu.memref_slice %arg8[%dma_wait3A_97, %dma_wait3A_98] : memref<10008x128xf32, #tpu.memory_space<vmem_shared>> -> memref<10008x128xf32, #tpu.memory_space<vmem_shared>>
      tpu.wait_indirect_dma semaphore(%arg9 : memref<!tpu.dma_semaphore, #tpu.memory_space<semaphore_mem>>) src(%arg7 : memref<125x128xf32, #tpu.memory_space<vmem>>) dst(%dma_wait3A_99 : memref<10008x128xf32, #tpu.memory_space<vmem_shared>>)
      %dma_wait3A_100 = arith.constant 3 : i32
      %dma_wait3A_101 = arith.constant 0 : i32
      %dma_wait3A_102 = tpu.memref_slice %arg6[%dma_wait3A_100, %dma_wait3A_101] : memref<8x125xi32, #tpu.memory_space<vmem>> -> memref<1x125xi32, #tpu.memory_space<vmem>>
      %dma_wait3A_103 = tpu.memref_squeeze %dma_wait3A_102 : memref<1x125xi32, #tpu.memory_space<vmem>> -> memref<125xi32, #tpu.memory_space<vmem>>
      %dma_wait3A_104 = arith.constant 0 : i32
      %dma_wait3A_105 = arith.constant 0 : i32
      %dma_wait3A_106 = tpu.memref_slice %arg8[%dma_wait3A_104, %dma_wait3A_105] : memref<10008x128xf32, #tpu.memory_space<vmem_shared>> -> memref<10008x128xf32, #tpu.memory_space<vmem_shared>>
      tpu.wait_indirect_dma semaphore(%arg9 : memref<!tpu.dma_semaphore, #tpu.memory_space<semaphore_mem>>) src(%arg7 : memref<125x128xf32, #tpu.memory_space<vmem>>) dst(%dma_wait3A_106 : memref<10008x128xf32, #tpu.memory_space<vmem_shared>>)
      %dma_wait3A_107 = arith.constant 4 : i32
      %dma_wait3A_108 = arith.constant 0 : i32
      %dma_wait3A_109 = tpu.memref_slice %arg6[%dma_wait3A_107, %dma_wait3A_108] : memref<8x125xi32, #tpu.memory_space<vmem>> -> memref<1x125xi32, #tpu.memory_space<vmem>>
      %dma_wait3A_110 = tpu.memref_squeeze %dma_wait3A_109 : memref<1x125xi32, #tpu.memory_space<vmem>> -> memref<125xi32, #tpu.memory_space<vmem>>
      %dma_wait3A_111 = arith.constant 0 : i32
      %dma_wait3A_112 = arith.constant 0 : i32
      %dma_wait3A_113 = tpu.memref_slice %arg8[%dma_wait3A_111, %dma_wait3A_112] : memref<10008x128xf32, #tpu.memory_space<vmem_shared>> -> memref<10008x128xf32, #tpu.memory_space<vmem_shared>>
      tpu.wait_indirect_dma semaphore(%arg9 : memref<!tpu.dma_semaphore, #tpu.memory_space<semaphore_mem>>) src(%arg7 : memref<125x128xf32, #tpu.memory_space<vmem>>) dst(%dma_wait3A_113 : memref<10008x128xf32, #tpu.memory_space<vmem_shared>>)
      %dma_wait3A_114 = arith.constant 5 : i32
      %dma_wait3A_115 = arith.constant 0 : i32
      %dma_wait3A_116 = tpu.memref_slice %arg6[%dma_wait3A_114, %dma_wait3A_115] : memref<8x125xi32, #tpu.memory_space<vmem>> -> memref<1x125xi32, #tpu.memory_space<vmem>>
      %dma_wait3A_117 = tpu.memref_squeeze %dma_wait3A_116 : memref<1x125xi32, #tpu.memory_space<vmem>> -> memref<125xi32, #tpu.memory_space<vmem>>
      %dma_wait3A_118 = arith.constant 0 : i32
      %dma_wait3A_119 = arith.constant 0 : i32
      %dma_wait3A_120 = tpu.memref_slice %arg8[%dma_wait3A_118, %dma_wait3A_119] : memref<10008x128xf32, #tpu.memory_space<vmem_shared>> -> memref<10008x128xf32, #tpu.memory_space<vmem_shared>>
      tpu.wait_indirect_dma semaphore(%arg9 : memref<!tpu.dma_semaphore, #tpu.memory_space<semaphore_mem>>) src(%arg7 : memref<125x128xf32, #tpu.memory_space<vmem>>) dst(%dma_wait3A_120 : memref<10008x128xf32, #tpu.memory_space<vmem_shared>>)
      %dma_wait3A_121 = arith.constant 6 : i32
      %dma_wait3A_122 = arith.constant 0 : i32
      %dma_wait3A_123 = tpu.memref_slice %arg6[%dma_wait3A_121, %dma_wait3A_122] : memref<8x125xi32, #tpu.memory_space<vmem>> -> memref<1x125xi32, #tpu.memory_space<vmem>>
      %dma_wait3A_124 = tpu.memref_squeeze %dma_wait3A_123 : memref<1x125xi32, #tpu.memory_space<vmem>> -> memref<125xi32, #tpu.memory_space<vmem>>
      %dma_wait3A_125 = arith.constant 0 : i32
      %dma_wait3A_126 = arith.constant 0 : i32
      %dma_wait3A_127 = tpu.memref_slice %arg8[%dma_wait3A_125, %dma_wait3A_126] : memref<10008x128xf32, #tpu.memory_space<vmem_shared>> -> memref<10008x128xf32, #tpu.memory_space<vmem_shared>>
      tpu.wait_indirect_dma semaphore(%arg9 : memref<!tpu.dma_semaphore, #tpu.memory_space<semaphore_mem>>) src(%arg7 : memref<125x128xf32, #tpu.memory_space<vmem>>) dst(%dma_wait3A_127 : memref<10008x128xf32, #tpu.memory_space<vmem_shared>>)
      %dma_wait3A_128 = arith.constant 7 : i32
      %dma_wait3A_129 = arith.constant 0 : i32
      %dma_wait3A_130 = tpu.memref_slice %arg6[%dma_wait3A_128, %dma_wait3A_129] : memref<8x125xi32, #tpu.memory_space<vmem>> -> memref<1x125xi32, #tpu.memory_space<vmem>>
      %dma_wait3A_131 = tpu.memref_squeeze %dma_wait3A_130 : memref<1x125xi32, #tpu.memory_space<vmem>> -> memref<125xi32, #tpu.memory_space<vmem>>
      %dma_wait3A_132 = arith.constant 0 : i32
      %dma_wait3A_133 = arith.constant 0 : i32
      %dma_wait3A_134 = tpu.memref_slice %arg8[%dma_wait3A_132, %dma_wait3A_133] : memref<10008x128xf32, #tpu.memory_space<vmem_shared>> -> memref<10008x128xf32, #tpu.memory_space<vmem_shared>>
      tpu.wait_indirect_dma semaphore(%arg9 : memref<!tpu.dma_semaphore, #tpu.memory_space<semaphore_mem>>) src(%arg7 : memref<125x128xf32, #tpu.memory_space<vmem>>) dst(%dma_wait3A_134 : memref<10008x128xf32, #tpu.memory_space<vmem_shared>>)
    }
    %scan3A_7 = arith.constant 5 : i32
    %barrier3A_8 = arith.constant 0 : index
    tpu.barrier barrier_id(%barrier3A_8)
    %mul3A_9 = arith.constant 10000 : i32
    %mul3A_10 = arith.muli %arg0, %mul3A_9 : i32
    %add3A = arith.addi %mul3A_10, %mul3A_0 : i32
    "tpu.region"() ({
      %run_scoped3A = tpu.sem_alloc : memref<!tpu.dma_semaphore, #tpu.memory_space<semaphore_mem>>
      %dma_start3A = arith.constant 0 : i32
      %dma_start3A_16 = tpu.memref_slice %arg5[%add3A, %dma_start3A] : memref<20000x128xf32, #tpu.memory_space<hbm>> -> memref<624x128xf32, #tpu.memory_space<hbm>>
      %dma_start3A_17 = arith.constant 0 : i32
      %dma_start3A_18 = tpu.memref_slice %arg8[%mul3A_0, %dma_start3A_17] : memref<10008x128xf32, #tpu.memory_space<vmem_shared>> -> memref<624x128xf32, #tpu.memory_space<vmem_shared>>
      tpu.enqueue_dma source(%dma_start3A_18 : memref<624x128xf32, #tpu.memory_space<vmem_shared>>) target(%dma_start3A_16 : memref<624x128xf32, #tpu.memory_space<hbm>>) target_semaphore(%run_scoped3A : memref<!tpu.dma_semaphore, #tpu.memory_space<semaphore_mem>>)
      %dma_wait3A = arith.constant 0 : i32
      %dma_wait3A_19 = tpu.memref_slice %arg5[%add3A, %dma_wait3A] : memref<20000x128xf32, #tpu.memory_space<hbm>> -> memref<624x128xf32, #tpu.memory_space<hbm>>
      %dma_wait3A_20 = arith.constant 0 : i32
      %dma_wait3A_21 = tpu.memref_slice %arg8[%mul3A_0, %dma_wait3A_20] : memref<10008x128xf32, #tpu.memory_space<vmem_shared>> -> memref<624x128xf32, #tpu.memory_space<vmem_shared>>
      tpu.wait_dma2 semaphore(%run_scoped3A : memref<!tpu.dma_semaphore, #tpu.memory_space<semaphore_mem>>) src(%dma_wait3A_21 : memref<624x128xf32, #tpu.memory_space<vmem_shared>>) dst(%dma_wait3A_19 : memref<624x128xf32, #tpu.memory_space<hbm>>)
      tpu.yield
    }) : () -> ()
    %eq3A_11 = arith.constant 15 : i32
    %eq3A_12 = arith.cmpi eq, %arg1, %eq3A_11 : i32
    %convert_element_type3A_13 = arith.extui %eq3A_12 : i1 to i32
    %cond3A_14 = arith.constant 0 : i32
    %cond3A_15 = arith.cmpi ne, %convert_element_type3A_13, %cond3A_14 : i32
    scf.if %cond3A_15 {
      %mul3A_16 = arith.constant 10000 : i32
      %mul3A_17 = arith.muli %arg0, %mul3A_16 : i32
      %add3A_18 = arith.constant 9984 : i32
      %add3A_19 = arith.addi %mul3A_17, %add3A_18 : i32
      "tpu.region"() ({
        %run_scoped3A = tpu.sem_alloc : memref<!tpu.dma_semaphore, #tpu.memory_space<semaphore_mem>>
        %dma_start3A = arith.constant 0 : i32
        %dma_start3A_20 = tpu.memref_slice %arg5[%add3A_19, %dma_start3A] : memref<20000x128xf32, #tpu.memory_space<hbm>> -> memref<16x128xf32, #tpu.memory_space<hbm>>
        %dma_start3A_21 = arith.constant 9984 : i32
        %dma_start3A_22 = arith.constant 0 : i32
        %dma_start3A_23 = tpu.memref_slice %arg8[%dma_start3A_21, %dma_start3A_22] : memref<10008x128xf32, #tpu.memory_space<vmem_shared>> -> memref<16x128xf32, #tpu.memory_space<vmem_shared>>
        tpu.enqueue_dma source(%dma_start3A_23 : memref<16x128xf32, #tpu.memory_space<vmem_shared>>) target(%dma_start3A_20 : memref<16x128xf32, #tpu.memory_space<hbm>>) target_semaphore(%run_scoped3A : memref<!tpu.dma_semaphore, #tpu.memory_space<semaphore_mem>>)
        %dma_wait3A = arith.constant 0 : i32
        %dma_wait3A_24 = tpu.memref_slice %arg5[%add3A_19, %dma_wait3A] : memref<20000x128xf32, #tpu.memory_space<hbm>> -> memref<16x128xf32, #tpu.memory_space<hbm>>
        %dma_wait3A_25 = arith.constant 9984 : i32
        %dma_wait3A_26 = arith.constant 0 : i32
        %dma_wait3A_27 = tpu.memref_slice %arg8[%dma_wait3A_25, %dma_wait3A_26] : memref<10008x128xf32, #tpu.memory_space<vmem_shared>> -> memref<16x128xf32, #tpu.memory_space<vmem_shared>>
        tpu.wait_dma2 semaphore(%run_scoped3A : memref<!tpu.dma_semaphore, #tpu.memory_space<semaphore_mem>>) src(%dma_wait3A_27 : memref<16x128xf32, #tpu.memory_space<vmem_shared>>) dst(%dma_wait3A_24 : memref<16x128xf32, #tpu.memory_space<hbm>>)
        tpu.yield
      }) : () -> ()
    } else {
    }
    return
  }
}

</mosaic_0001>

<sc_bundles>
// kernel: _sc_degree.3.cloned.1.call-start
scs
__scs_entry_jumppad:
0x0: {  	(pc) =	sbr.rel $0x88, $3  }
0x1: {  	(tag) =	ssettag $0x0;
	lr =	simm.s32 $0x1  }
0x2: {  	[smem:$0x3F9E] =	sst lr;
	_ =	strace $0xD0000000  }
0x3: {  	_ = 	snop  }
0x4: {  	_ = 	snop  }
0x5: {  	_ = 	snop  }
0x6: {  	_ = 	snop  }
0x7: {  	_ = 	snop  }
__scs_overlays_trampoline_lowered:
0x8: {  	[smem:$0x3FAD] =	sst s0  }
0x9: {  	[smem:$0x3FAE] =	sst s1  }
0xa: {  	[smem:$0x3FAF] =	sst s2  }
0xb: {  	[smem:$0x3FB0] =	sst s3  }
0xc: {  	[smem:$0x3FB1] =	sst s4  }
0xd: {  	[smem:$0x3FB2] =	sst s5  }
0xe: {  	[smem:$0x3FB3] =	sst s6  }
0xf: {  	[smem:$0x3FB4] =	sst s7  }
0x10: {  	[smem:$0x3FB5] =	sst s8  }
0x11: {  	[smem:$0x3FB6] =	sst s9;
	s0 =	simm.s32 @!p0 $0x0  }
0x12: {  	s1 =	sld [smem:$0x3F9C];
	s0 =	simm.s32 @p0 $0x1  }
0x13: {  	[smem:$0x3FB7] =	sst s0;
	s0 =	simm.s32 @!p1 $0x0  }
0x14: {  	s2 =	sld [smem:$0x3F9B];
	s0 =	simm.s32 @p1 $0x1  }
0x15: {  	[smem:$0x3FB8] =	sst s0;
	s0 =	simm.s32 @!p2 $0x0  }
0x16: {  	s3 =	sld [smem:$0x3FDB];
	s0 =	simm.s32 @p2 $0x1  }
0x17: {  	s4 =	simm.s32 $0x1BF5;
	[smem:$0x3FBA] =	sst s0  }
0x18: {  	s0 =	sld [smem:$0x3F9D];
	_ =	swait.ge [sflag:s4], $0x0  }
0x19: {  	s7 =	sld [smem:$0x3F9E]  }
0x1a: {  	s8 =	sadd.s32 $0xFFFFE003, lr  }
0x1b: {  	s9 =	sadd.s32 $0xFFFFFEF7, lr;
	s5 =	simm.s32 $0xFFFFFFFF;
	p2 =	slt.u32 s8, $0xFFFFF086  }
0x1c: {  	p1 =	slt.u32 s9, $0xF7A;
	s5 =	simm.s32 @!p2 $0x0  }
0x1d: {  	s5 =	simm.s32 @p1 $0x1;
	p0 =	seq.s32 s7, s2  }
0x1e: {  	s7 =	smul.u32 @!p0 $0xF7A, s2;
	p2 =	seq.s32 @!p0 s5, $0x0  }
0x1f: {  	s9 =	smul.u32 $0xF7A, s1;
	s8 =	simm.s32 @!p0 $0x1BF5;
	p2 =	por !p2, p0  }
0x20: {  	[sflag:s8] =	ssyncset.s32 @!p0 $0xFFFFF086;
	s6 =	sadd.s32 @!p0 s3, s7;
	s7 =	simm.s32 @!p0 $0x108  }
0x21: {  	s3 =	sadd.s32 s3, s9;
	s6 =	sadd.s32 @!p0 $0x88, s6;
	s7 =	simm.s32 @p2 $0x1082  }
0x22: {  	[simem:s7], [sflag:s8] =	dma.local @!p0 [hbm:s6], $0xF7A  }
0x23: {  	s9 =	sor.u32 $0xD0000000, s2;
	s6 =	simm.s32 $0x108;
	_ =	swait.ge @!p0 [sflag:s8], $0x0  }
0x24: {  	s3 =	sadd.s32 $0x88, s3;
	s6 =	simm.s32 @!p1 $0x1082;
	[sflag:s4] =	ssyncset.s32 $0xFFFFF086  }
0x25: {  	[simem:s6], [sflag:s4] =	dma.local [hbm:s3], $0xF7A  }
0x26: {  	[smem:$0x3F9E] =	sst s1;
	(tag) =	ssettag s2;
	_ =	strace s9  }
0x27: {  	s1 =	sld [smem:$0x3FAE]  }
0x28: {  	s2 =	sld [smem:$0x3FAF]  }
0x29: {  	s4 =	sld [smem:$0x3FB1]  }
0x2a: {  	p0 =	seq.s32 s5, $0x0;
	s5 =	sld [smem:$0x3FB2]  }
0x2b: {  	s6 =	sld [smem:$0x3FB3]  }
0x2c: {  	s7 =	sld [smem:$0x3FB4]  }
0x2d: {  	s3 =	simm.s32 $0x108;
	s8 =	sld [smem:$0x3FB5]  }
0x2e: {  	s3 =	simm.s32 @!p0 $0x1082;
	s9 =	sld [smem:$0x3FB6]  }
0x2f: {  	lr =	sadd.s32 s0, s3;
	s0 =	sld [smem:$0x3FAD]  }
0x30: {  	s3 =	sld [smem:$0x3FB0]  }
0x31: {  	[smem:$0x3FB9] =	sst s10  }
0x32: {  	s10 =	sld [smem:$0x3FB7];
	_ =	sdelay $0x3  }
0x33: {  	p0 =	seq.s32 s10, $0x1;
	s10 =	sld [smem:$0x3FB9];
	_ =	sdelay $0x3  }
0x34: {  	[smem:$0x3FB9] =	sst s10  }
0x35: {  	s10 =	sld [smem:$0x3FB8];
	_ =	sdelay $0x3  }
0x36: {  	p1 =	seq.s32 s10, $0x1;
	s10 =	sld [smem:$0x3FB9];
	_ =	sdelay $0x3  }
0x37: {  	[smem:$0x3FB9] =	sst s10  }
0x38: {  	s10 =	sld [smem:$0x3FBA]  }
0x39: {  	_ = 	snop;
	(pc) =	sbr.ind lr, $3  }
0x3a: {  	_ = 	snop  }
0x3b: {  	_ = 	snop  }
0x3c: {  	p2 =	seq.s32 s10, $0x1;
	s10 =	sld [smem:$0x3FB9]  }
0x3d: {  	_ =	shalt  }
0x3e: {  	_ =	shalt  }
0x3f: {  	_ =	shalt  }
0x40: {  	_ =	shalt  }
0x41: {  	_ =	shalt  }
0x42: {  	_ =	shalt  }
0x43: {  	_ =	shalt  }
0x44: {  	_ =	shalt  }
0x45: {  	_ =	shalt  }
0x46: {  	_ =	shalt  }
0x47: {  	_ =	shalt  }
0x48: {  	_ =	shalt  }
0x49: {  	_ =	shalt  }
0x4a: {  	_ =	shalt  }
0x4b: {  	_ =	shalt  }
0x4c: {  	_ =	shalt  }
0x4d: {  	_ =	shalt  }
0x4e: {  	_ =	shalt  }
0x4f: {  	_ =	shalt  }
0x50: {  	_ =	shalt  }
0x51: {  	_ =	shalt  }
0x52: {  	_ =	shalt  }
0x53: {  	_ =	shalt  }
0x54: {  	_ =	shalt  }
0x55: {  	_ =	shalt  }
0x56: {  	_ =	shalt  }
0x57: {  	_ =	shalt  }
0x58: {  	_ =	shalt  }
0x59: {  	_ =	shalt  }
0x5a: {  	_ =	shalt  }
0x5b: {  	_ =	shalt  }
0x5c: {  	_ =	shalt  }
0x5d: {  	_ =	shalt  }
0x5e: {  	_ =	shalt  }
0x5f: {  	_ =	shalt  }
0x60: {  	_ =	shalt  }
0x61: {  	_ =	shalt  }
0x62: {  	_ =	shalt  }
0x63: {  	_ =	shalt  }
0x64: {  	_ =	shalt  }
0x65: {  	_ =	shalt  }
0x66: {  	_ =	shalt  }
0x67: {  	_ =	shalt  }
0x68: {  	_ =	shalt  }
0x69: {  	_ =	shalt  }
0x6a: {  	_ =	shalt  }
0x6b: {  	_ =	shalt  }
0x6c: {  	_ =	shalt  }
0x6d: {  	_ =	shalt  }
0x6e: {  	_ =	shalt  }
0x6f: {  	_ =	shalt  }
0x70: {  	_ =	shalt  }
0x71: {  	_ =	shalt  }
0x72: {  	_ =	shalt  }
0x73: {  	_ =	shalt  }
0x74: {  	_ =	shalt  }
0x75: {  	_ =	shalt  }
0x76: {  	_ =	shalt  }
0x77: {  	_ =	shalt  }
0x78: {  	_ =	shalt  }
0x79: {  	_ =	shalt  }
0x7a: {  	_ =	shalt  }
0x7b: {  	_ =	shalt  }
0x7c: {  	_ =	shalt  }
0x7d: {  	_ =	shalt  }
0x7e: {  	_ =	shalt  }
0x7f: {  	_ =	shalt  }
0x80: {  	_ =	shalt  }
0x81: {  	_ =	shalt  }
0x82: {  	_ =	shalt  }
0x83: {  	_ =	shalt  }
0x84: {  	_ =	shalt  }
0x85: {  	_ =	shalt  }
0x86: {  	_ =	shalt  }
0x87: {  	_ =	shalt  }
.Lfunc_end0:
.L_simem_size_0:
called_computation_lowered:
.L_overlay_start_0:
0x88: {  	s2 =	sld [smem:$0x3FD9]  }
0x89: {  	s3 =	sld [smem:$0x3FFE];
	_ =	sdelay $0x1  }
0x8a: {  	s1 =	srdreg.scid  }
0x8b: {  	s0 =	sand.u32 $0x1, s1  }
0x8c: {  	s18 =	sshll.u32 s0, $0xA;
	s2 =	sadd.s32 s3, s2  }
0x8d: {  	s2 =	sadd.s32 s2, s18  }
0x8e: {  	[smem:$0x3FC5] =	sst s2  }
0x8f: {  	_ = 	snop  }
0x90: {  	s2 =	sld [smem:$0x3FC9]  }
0x91: {  	s19 =	sld [smem:$0x3FC8]  }
0x92: {  	s4 =	sld [smem:$0x3FC7]  }
0x93: {  	s5 =	sld [smem:$0x3FD0];
	(tm) =	ssettm $0x1  }
0x94: {  	s6 =	sld [smem:$0x3FFB];
	_ =	sdelay $0x3  }
0x95: {  	_ =	strace s6  }
0x96: {  	s6 =	sld [smem:$0x3FFC];
	_ =	sdelay $0x3  }
0x97: {  	_ =	strace s6  }
0x98: {  	s6 =	sld [smem:$0x3FFD];
	_ =	sdelay $0x3  }
0x99: {  	_ =	strace s6  }
0x9a: {  	_ =	strace $0x8FFFFFFF  }
0x9b: {  	s20 =	sld [smem:$0x3FDB];
	_ =	sdelay $0x1  }
0x9c: {  	s7 =	simm.s32 $_scs_section_size  }
0x9d: {  	s8 =	simm.s32 $_size__tile_overlayer_lowered;
	s9 =	simm.s32 $_tile_overlayer_lowered  }
0x9e: {  	s23 =	simm.s32 $0x1BFF;
	s22 =	sshll.u32 s9, $0x1;
	s6 =	sadd.s32 s7, s20  }
0x9f: {  	s10 =	simm.s32 $0x0;
	s21 =	sshll.u32 s8, $0x1;
	s8 =	sadd.s32 s22, s6  }
0xa0: {  	[timem:s10], [sflag:s23] =	dma.local [hbm:s8], s21  }
0xa1: {  	_ =	swait.ge [sflag:s23], s21  }
0xa2: {  	s7 =	ssub.s32 $0x0, s21;
	[sflag:s23] =	ssyncset.done $0x0  }
0xa3: {  	[sflag:s23] =	ssyncadd.s32 s7;
	_ =	sdelay $0x1  }
0xa4: {  	s24 =	simm.s32 $0x1B8B  }
0xa5: {  	_ =	swait.ge [sflag:s24], $0x1  }
0xa6: {  	[sflag:s24] =	ssyncset.done $0x0  }
0xa7: {  	s25 =	simm.s32 $0x1B8E;
	[sflag:s24] =	ssyncadd.s32 $0xFFFFFFFF  }
0xa8: {  	s26 =	simm.s32 $execute0_lowered;
	[smem:$0x3FD2] =	sst s25  }
0xa9: {  	s7 =	sshll.u32 s26, $0x1;
	_ =	strace $0x80000046;
	[dreg:$0x1] =	wrdreg $0xFFFFFFFF  }
0xaa: {  	s28 =	simm.s32 $_size_execute0_lowered;
	s6 =	sadd.s32 s6, s7;
	[dreg:$0x0] =	wrdreg $0x0  }
0xab: {  	s7 =	sshll.u32 s28, $0x1;
	[dreg:$0x2] =	wrdreg s6  }
0xac: {  	[dreg:$0x3] =	wrdreg s7  }
0xad: {  	[dreg:$0x4] =	wrdreg $0xC0  }
0xae: {  	_ =	task [dreg:s10], $0x5FFFF  }
0xaf: {  	[dreg:$0x1] =	wrdreg $0xFFFFFFFF  }
0xb0: {  	[dreg:$0x0] =	wrdreg $0x60  }
0xb1: {  	[dreg:$0x2] =	wrdreg s2  }
0xb2: {  	[dreg:$0x3] =	wrdreg s19  }
0xb3: {  	[dreg:$0x4] =	wrdreg s4  }
0xb4: {  	[dreg:$0x5] =	wrdreg s5  }
0xb5: {  	[dreg:$0x6] =	wrdreg $0x44000  }
0xb6: {  	[dreg:$0x7] =	wrdreg $0x9  }
0xb7: {  	_ =	task.clear_ibuf [dreg:s10], $0x8FFFF;
	_ =	strace $0x90000046  }
0xb8: {  	s29 =	simm.s32 $0x9;
	_ =	strace $0x80000048  }
0xb9: {  	_ =	swait.ge [sflag:s29], $0x1  }
0xba: {  	[sflag:s29] =	ssyncadd.s32 $0xFFFFFFFF  }
0xbb: {  	_ =	strace $0x90000048  }
0xbc: {  	_ =	sfence  }
0xbd: {  	s30 =	sld [smem:$0x0];
	_ =	sdelay $0x2  }
0xbe: {  	s31 =	sshll.u32 s1, $0xD;
	s1 =	sshrl.u32 s1, $0x2  }
0xbf: {  	s3 =	sand.u32 $0x4000, s31;
	s1 =	sadd.s32 s1, s30  }
0xc0: {  	s0 =	sor.u32 s3, s0;
	s1 =	sshll.u32 s1, $0x11  }
0xc1: {  	s0 =	sor.u32 s1, s0  }
0xc2: {  	s0 =	sadd.s32 $0x8F2B, s0  }
0xc3: {  	[sflag:s0] =	ssyncadd.remote.s32 $0x1  }
0xc4: {  	_ =	sfence.sel $0xFFFF  }
0xc5: {  	[dreg:$0x0] =	wrdreg $0xFFFFFFFF;
	(pc) =	sbr.abs _section_cstart, $3  }
0xc6: {  	[dreg:$0x1] =	wrdreg $0xFFFFFFFF  }
0xc7: {  	_ =	task.clear_ibuf [dreg:s10], $0x2FFFF;
	_ =	strace $0x9FFFFFFF  }
0xc8: {  	(tm) =	ssettm $0x7FFFFFFF  }
0xc9: {  	_ =	shalt  }
tec
execute0_lowered:
.L_overlay_start_1:
0x0: {  	(tag) =	ssettag $0x1  }
0x1: {  	s11 =	rddreg [dreg:$0x0]  }
0x2: {  	s1 =	rddreg [dreg:$0x1]  }
0x3: {  	s7 =	rddreg [dreg:$0x2]  }
0x4: {  	s9 =	rddreg [dreg:$0x3]  }
0x5: {  	s3 =	rddreg [dreg:$0x4]  }
0x6: {  	s0 =	rddreg [dreg:$0x5];
	s2 =	stileid.u32  }
0x7: {  	s4 =	simm.s32 $0x0;
	s5 =	srdreg.scid;
	s18 =	simm.s32 $0x100  }
0x8: {  	s19 =	simm.s32 $0x180;
	s20 =	simm.s32 $0x200;
	s21 =	simm.s32 $0x280  }
0x9: {  	s22 =	simm.s32 $0x300;
	s23 =	simm.s32 $0x380;
	s8 =	smul.u32 $0x2700, s2  }
0xa: {  	s24 =	simm.s32 $0x1;
	s25 =	simm.s32 $0x0;
	s29 =	smul.u32 $0x4E000, s2  }
0xb: {  	[smem:$0x7FF] =	sst s4;
	s6 =	sand.u32 $0x1, s5;
	s14 =	smul.u32 $0x28, s2  }
0xc: {  	s16 =	sshll.u32 s2, $0x6;
	p0 =	sne.s32 s2, $0xF;
	s12 =	smul.u32 $0x280, s6  }
0xd: {  	_ =	strace $0x80000047;
	s10 =	ssub.s32 $0x2, s6;
	s15 =	smul.u32 $0x27100, s6  }
0xe: {  	s17 =	smul.u32 $0x138800, s6;
	s6 =	sor.u32 $0x1C02, s16;
	s13 =	sshrl.u32 s10, $0x1  }
0xf: {  	s16 =	sadd.s32 $0x138000, s3;
	s5 =	sshrl.u32 s29, $0x2;
	s10 =	ssub.s32 s10, s13  }
0x10: {  	s30 =	sadd.s32 s5, s3;
	s5 =	sadd.s32 s7, s8;
	s7 =	sadd.s32 $0x27000, s7  }
0x11: {  	s12 =	sadd.s32 s14, s12;
	s8 =	sadd.s32 s8, s15;
	s31 =	sshrl.u32 s17, $0x3  }
0x12: {  	s13 =	simm.s32 $0x2;
	s14 =	simm.s32 $0x400;
	s15 =	sshrl.u32 @!p0 s16, $0x3  }
0x13: {  	s16 =	simm.s32 $0x7D;
	s17 =	simm.s32 $0x80;
	s8 =	sadd.s32 s9, s8  }
0x14: {  	s9 =	sadd.s32 s9, s31;
	s12 =	sshll.u32 s12, $0x4;
	s10 =	smax.u32 s10, $0x1  }
0x15: {  	s9 =	sadd.s32 $0x27000, s9;
	s11 =	sadd.s32 s12, s11;
	s12 =	sshrl.u32 s30, $0x3  }
.LBB2_1:
0x16: {  	[spmem:s12], [sflag:s6] =	dma.local [hbm:s5], $0x2700  }
0x17: {  	_ =	swait.ge [sflag:s13], $0x2700  }
0x18: {  	[sflag:s13] =	ssyncset.done $0x0  }
0x19: {  	[sflag:s13] =	ssyncadd.s32 $0xFFFFD900  }
0x1a: {  	[tilespmem:s14], [sflag:$0x2] =	stream.linear.gather [hbm4b:s1+s4], $0x3E80, $0x38;
	[tilespmem:$0x17CC0] =	vst v63  }
0x1b: {  	_ =	swait.ge [sflag:s13], $0x3E80  }
0x1c: {  	[sflag:s13] =	ssyncset.done $0x0  }
0x1d: {  	s26 =	simm.s32 @!p0 $0x2;
	[sflag:s13] =	ssyncadd.s32 $0xFFFFC180  }
0x1e: {  	[spmem:s15], [sflag:s6] =	dma.local @!p0 [hbm:s7], $0x100  }
0x1f: {  	_ =	swait.ge @!p0 [sflag:s26], $0x100  }
0x20: {  	[sflag:s26] =	ssyncset.done @!p0 $0x0  }
0x21: {  	[sflag:s26] =	ssyncadd.s32 @!p0 $0xFFFFFF00  }
0x22: {  	s31 =	sadd.s32 $0x0, s11;
	[bflag:$0x0] =	sbarrier.arrive $0xFFFF  }
0x23: {  	[tilespmem:s4], [sflag:$0x2] =	stream.linear.gather [hbm4b:s31+s4], $0x400, $0x38;
	[tilespmem:$0x17CC0] =	vst v63  }
0x24: {  	_ =	swait.ge [sflag:s13], $0x400  }
0x25: {  	[sflag:s13] =	ssyncset.done $0x0  }
0x26: {  	[sflag:s13] =	ssyncadd.s32 $0xFFFFFC00  }
0x27: {  	[spmem:s3] =	stream.indirect.scatter.add.f32 [tilespmem:s14], [sflag:$0x1], $0x80, s4, s16, $0xb8;
	[tilespmem:$0x17CC0] =	vst v63  }
0x28: {  	_ = 	snop  }
0x29: {  	[spmem:s3] =	stream.indirect.scatter.add.f32 [tilespmem:s14], [sflag:$0x1], $0x80, s17, s16, $0xb8;
	[tilespmem:$0x17CC0] =	vst v63  }
0x2a: {  	_ = 	snop  }
0x2b: {  	[spmem:s3] =	stream.indirect.scatter.add.f32 [tilespmem:s14], [sflag:$0x1], $0x80, s18, s16, $0xb8;
	[tilespmem:$0x17CC0] =	vst v63  }
0x2c: {  	_ = 	snop  }
0x2d: {  	[spmem:s3] =	stream.indirect.scatter.add.f32 [tilespmem:s14], [sflag:$0x1], $0x80, s19, s16, $0xb8;
	[tilespmem:$0x17CC0] =	vst v63  }
0x2e: {  	_ = 	snop  }
0x2f: {  	[spmem:s3] =	stream.indirect.scatter.add.f32 [tilespmem:s14], [sflag:$0x1], $0x80, s20, s16, $0xb8;
	[tilespmem:$0x17CC0] =	vst v63  }
0x30: {  	_ = 	snop  }
0x31: {  	[spmem:s3] =	stream.indirect.scatter.add.f32 [tilespmem:s14], [sflag:$0x1], $0x80, s21, s16, $0xb8;
	[tilespmem:$0x17CC0] =	vst v63  }
0x32: {  	_ = 	snop  }
0x33: {  	[spmem:s3] =	stream.indirect.scatter.add.f32 [tilespmem:s14], [sflag:$0x1], $0x80, s22, s16, $0xb8;
	[tilespmem:$0x17CC0] =	vst v63  }
0x34: {  	_ = 	snop  }
0x35: {  	[spmem:s3] =	stream.indirect.scatter.add.f32 [tilespmem:s14], [sflag:$0x1], $0x80, s23, s16, $0xb8;
	[tilespmem:$0x17CC0] =	vst v63  }
0x36: {  	_ =	swait.ge [sflag:s24], $0x3E80  }
0x37: {  	[sflag:s24] =	ssyncset.done $0x0  }
0x38: {  	[sflag:s24] =	ssyncadd.s32 $0xFFFFC180  }
0x39: {  	_ =	swait.ge [sflag:s24], $0x3E80  }
0x3a: {  	[sflag:s24] =	ssyncset.done $0x0  }
0x3b: {  	[sflag:s24] =	ssyncadd.s32 $0xFFFFC180  }
0x3c: {  	_ =	swait.ge [sflag:s24], $0x3E80  }
0x3d: {  	[sflag:s24] =	ssyncset.done $0x0  }
0x3e: {  	[sflag:s24] =	ssyncadd.s32 $0xFFFFC180  }
0x3f: {  	_ =	swait.ge [sflag:s24], $0x3E80  }
0x40: {  	[sflag:s24] =	ssyncset.done $0x0  }
0x41: {  	[sflag:s24] =	ssyncadd.s32 $0xFFFFC180  }
0x42: {  	_ =	swait.ge [sflag:s24], $0x3E80  }
0x43: {  	[sflag:s24] =	ssyncset.done $0x0  }
0x44: {  	[sflag:s24] =	ssyncadd.s32 $0xFFFFC180  }
0x45: {  	_ =	swait.ge [sflag:s24], $0x3E80  }
0x46: {  	[sflag:s24] =	ssyncset.done $0x0  }
0x47: {  	[sflag:s24] =	ssyncadd.s32 $0xFFFFC180  }
0x48: {  	_ =	swait.ge [sflag:s24], $0x3E80  }
0x49: {  	[sflag:s24] =	ssyncset.done $0x0  }
0x4a: {  	[sflag:s24] =	ssyncadd.s32 $0xFFFFC180  }
0x4b: {  	_ =	swait.ge [sflag:s24], $0x3E80  }
0x4c: {  	s29 =	simm.s32 $0x100;
	s26 =	simm.s32 $0x80;
	[sflag:s24] =	ssyncset.done $0x0  }
.LBB2_2:
0x4d: {  	s30 =	sadd.s32 s26, s11  }
0x4e: {  	[sflag:s24] =	ssyncadd.s32 $0xFFFFC180;
	s26 =	smov.u32 s29;
	s28 =	sadd.s32 $0x80, s29  }
0x4f: {  	[tilespmem:s4], [sflag:$0x2] =	stream.linear.gather [hbm4b:s30+s4], $0x400, $0x38;
	[tilespmem:$0x17CC0] =	vst v63  }
0x50: {  	p1 =	sne.s32 s29, $0x200;
	_ =	swait.ge [sflag:s13], $0x400  }
0x51: {  	[sflag:s13] =	ssyncset.done $0x0  }
0x52: {  	[sflag:s13] =	ssyncadd.s32 $0xFFFFFC00  }
0x53: {  	[spmem:s3] =	stream.indirect.scatter.add.f32 [tilespmem:s14], [sflag:$0x1], $0x80, s4, s16, $0xb8;
	[tilespmem:$0x17CC0] =	vst v63  }
0x54: {  	_ = 	snop  }
0x55: {  	[spmem:s3] =	stream.indirect.scatter.add.f32 [tilespmem:s14], [sflag:$0x1], $0x80, s17, s16, $0xb8;
	[tilespmem:$0x17CC0] =	vst v63  }
0x56: {  	_ = 	snop  }
0x57: {  	[spmem:s3] =	stream.indirect.scatter.add.f32 [tilespmem:s14], [sflag:$0x1], $0x80, s18, s16, $0xb8;
	[tilespmem:$0x17CC0] =	vst v63  }
0x58: {  	_ = 	snop  }
0x59: {  	[spmem:s3] =	stream.indirect.scatter.add.f32 [tilespmem:s14], [sflag:$0x1], $0x80, s19, s16, $0xb8;
	[tilespmem:$0x17CC0] =	vst v63  }
0x5a: {  	_ = 	snop  }
0x5b: {  	[spmem:s3] =	stream.indirect.scatter.add.f32 [tilespmem:s14], [sflag:$0x1], $0x80, s20, s16, $0xb8;
	[tilespmem:$0x17CC0] =	vst v63  }
0x5c: {  	_ = 	snop  }
0x5d: {  	[spmem:s3] =	stream.indirect.scatter.add.f32 [tilespmem:s14], [sflag:$0x1], $0x80, s21, s16, $0xb8;
	[tilespmem:$0x17CC0] =	vst v63  }
0x5e: {  	_ = 	snop  }
0x5f: {  	[spmem:s3] =	stream.indirect.scatter.add.f32 [tilespmem:s14], [sflag:$0x1], $0x80, s22, s16, $0xb8;
	[tilespmem:$0x17CC0] =	vst v63  }
0x60: {  	_ = 	snop  }
0x61: {  	[spmem:s3] =	stream.indirect.scatter.add.f32 [tilespmem:s14], [sflag:$0x1], $0x80, s23, s16, $0xb8;
	[tilespmem:$0x17CC0] =	vst v63  }
0x62: {  	_ =	swait.ge [sflag:s24], $0x3E80  }
0x63: {  	[sflag:s24] =	ssyncset.done $0x0  }
0x64: {  	[sflag:s24] =	ssyncadd.s32 $0xFFFFC180  }
0x65: {  	_ =	swait.ge [sflag:s24], $0x3E80  }
0x66: {  	[sflag:s24] =	ssyncset.done $0x0  }
0x67: {  	[sflag:s24] =	ssyncadd.s32 $0xFFFFC180  }
0x68: {  	_ =	swait.ge [sflag:s24], $0x3E80  }
0x69: {  	[sflag:s24] =	ssyncset.done $0x0  }
0x6a: {  	[sflag:s24] =	ssyncadd.s32 $0xFFFFC180  }
0x6b: {  	_ =	swait.ge [sflag:s24], $0x3E80  }
0x6c: {  	[sflag:s24] =	ssyncset.done $0x0  }
0x6d: {  	[sflag:s24] =	ssyncadd.s32 $0xFFFFC180  }
0x6e: {  	_ =	swait.ge [sflag:s24], $0x3E80  }
0x6f: {  	[sflag:s24] =	ssyncset.done $0x0  }
0x70: {  	[sflag:s24] =	ssyncadd.s32 $0xFFFFC180  }
0x71: {  	_ =	swait.ge [sflag:s24], $0x3E80  }
0x72: {  	[sflag:s24] =	ssyncset.done $0x0  }
0x73: {  	[sflag:s24] =	ssyncadd.s32 $0xFFFFC180  }
.Ltmp0:
0x74: {  	_ =	swait.ge [sflag:s24], $0x3E80;
	(pc) =	sbr.rel @p1 .LBB2_2-.Ltmp0, $4  }
0x75: {  	[sflag:s24] =	ssyncset.done $0x0  }
0x76: {  	[sflag:s24] =	ssyncadd.s32 $0xFFFFC180  }
0x77: {  	_ =	swait.ge [sflag:s24], $0x3E80  }
0x78: {  	s29 =	smov.u32 s28;
	[sflag:s24] =	ssyncset.done $0x0  }
0x79: {  	s26 =	sadd.s32 s26, s11;
	[sflag:s24] =	ssyncadd.s32 $0xFFFFC180  }
0x7a: {  	[tilespmem:s4], [sflag:$0x2] =	stream.linear.gather [hbm4b:s26+s4], $0x400, $0x38;
	[tilespmem:$0x17CC0] =	vst v63  }
0x7b: {  	_ =	swait.ge [sflag:s13], $0x400  }
0x7c: {  	[sflag:s13] =	ssyncset.done $0x0  }
0x7d: {  	[sflag:s13] =	ssyncadd.s32 $0xFFFFFC00  }
0x7e: {  	[spmem:s3] =	stream.indirect.scatter.add.f32 [tilespmem:s14], [sflag:$0x1], $0x80, s4, s16, $0xb8;
	[tilespmem:$0x17CC0] =	vst v63  }
0x7f: {  	_ = 	snop  }
0x80: {  	[spmem:s3] =	stream.indirect.scatter.add.f32 [tilespmem:s14], [sflag:$0x1], $0x80, s17, s16, $0xb8;
	[tilespmem:$0x17CC0] =	vst v63  }
0x81: {  	_ = 	snop  }
0x82: {  	[spmem:s3] =	stream.indirect.scatter.add.f32 [tilespmem:s14], [sflag:$0x1], $0x80, s18, s16, $0xb8;
	[tilespmem:$0x17CC0] =	vst v63  }
0x83: {  	_ = 	snop  }
0x84: {  	[spmem:s3] =	stream.indirect.scatter.add.f32 [tilespmem:s14], [sflag:$0x1], $0x80, s19, s16, $0xb8;
	[tilespmem:$0x17CC0] =	vst v63  }
0x85: {  	_ = 	snop  }
0x86: {  	[spmem:s3] =	stream.indirect.scatter.add.f32 [tilespmem:s14], [sflag:$0x1], $0x80, s20, s16, $0xb8;
	[tilespmem:$0x17CC0] =	vst v63  }
0x87: {  	_ = 	snop  }
0x88: {  	[spmem:s3] =	stream.indirect.scatter.add.f32 [tilespmem:s14], [sflag:$0x1], $0x80, s21, s16, $0xb8;
	[tilespmem:$0x17CC0] =	vst v63  }
0x89: {  	_ = 	snop  }
0x8a: {  	[spmem:s3] =	stream.indirect.scatter.add.f32 [tilespmem:s14], [sflag:$0x1], $0x80, s22, s16, $0xb8;
	[tilespmem:$0x17CC0] =	vst v63  }
0x8b: {  	_ = 	snop  }
0x8c: {  	[spmem:s3] =	stream.indirect.scatter.add.f32 [tilespmem:s14], [sflag:$0x1], $0x80, s23, s16, $0xb8;
	[tilespmem:$0x17CC0] =	vst v63  }
0x8d: {  	_ =	swait.ge [sflag:s24], $0x3E80  }
0x8e: {  	[sflag:s24] =	ssyncset.done $0x0  }
0x8f: {  	[sflag:s24] =	ssyncadd.s32 $0xFFFFC180  }
0x90: {  	_ =	swait.ge [sflag:s24], $0x3E80  }
0x91: {  	[sflag:s24] =	ssyncset.done $0x0  }
0x92: {  	[sflag:s24] =	ssyncadd.s32 $0xFFFFC180  }
0x93: {  	_ =	swait.ge [sflag:s24], $0x3E80  }
0x94: {  	[sflag:s24] =	ssyncset.done $0x0  }
0x95: {  	[sflag:s24] =	ssyncadd.s32 $0xFFFFC180  }
0x96: {  	_ =	swait.ge [sflag:s24], $0x3E80  }
0x97: {  	[sflag:s24] =	ssyncset.done $0x0  }
0x98: {  	[sflag:s24] =	ssyncadd.s32 $0xFFFFC180  }
0x99: {  	_ =	swait.ge [sflag:s24], $0x3E80  }
0x9a: {  	[sflag:s24] =	ssyncset.done $0x0  }
0x9b: {  	[sflag:s24] =	ssyncadd.s32 $0xFFFFC180  }
0x9c: {  	_ =	swait.ge [sflag:s24], $0x3E80  }
0x9d: {  	[sflag:s24] =	ssyncset.done $0x0  }
0x9e: {  	[sflag:s24] =	ssyncadd.s32 $0xFFFFC180  }
0x9f: {  	_ =	swait.ge [sflag:s24], $0x3E80  }
0xa0: {  	[sflag:s24] =	ssyncset.done $0x0  }
0xa1: {  	[sflag:s24] =	ssyncadd.s32 $0xFFFFC180  }
0xa2: {  	_ =	swait.ge [sflag:s24], $0x3E80  }
0xa3: {  	[sflag:s24] =	ssyncset.done $0x0  }
0xa4: {  	[sflag:s24] =	ssyncadd.s32 $0xFFFFC180  }
0xa5: {  	[bflag:$0x0] =	sbarrier.arrive $0xFFFF  }
0xa6: {  	[hbm:s8], [sflag:s6] =	dma.local [spmem:s12], $0x2700  }
0xa7: {  	s25 =	sadd.s32 $0x1, s25;
	_ =	swait.ge [sflag:s13], $0x2700  }
0xa8: {  	p1 =	sne.s32 s25, s10;
	[sflag:s13] =	ssyncset.done $0x0  }
.Ltmp1:
0xa9: {  	s26 =	simm.s32 @!p0 $0x2;
	[sflag:s13] =	ssyncadd.s32 $0xFFFFD900;
	(pc) =	sbr.rel @p1 .LBB2_1-.Ltmp1, $4  }
0xaa: {  	[hbm:s9], [sflag:s6] =	dma.local @!p0 [spmem:s15], $0x100  }
0xab: {  	_ =	swait.ge @!p0 [sflag:s26], $0x100  }
0xac: {  	[sflag:s26] =	ssyncset.done @!p0 $0x0  }
0xad: {  	[sflag:s26] =	ssyncadd.s32 @!p0 $0xFFFFFF00  }
0xae: {  	_ =	sfence.sel $0x180000  }
0xaf: {  	[bflag:$0x0] =	sbarrier.arrive $0xFFFF  }
0xb0: {  	p0 =	sne.s32 s2, $0x0;
	_ =	strace $0x90000047  }
0xb1: {  	s0 =	sadd.s32 @!p0 $0x100000, s0;
	[bflag:$0x2] =	sbarrier.arrive $0xFFFF  }
0xb2: {  	[sflag:s0] =	ssyncadd.tile.s32 @!p0 $0x1;
	_ =	shalt  }
.Lfunc_end2:
_tile_overlayer_lowered:
.L_overlay_start_2:
0xb3: {  	(tag) =	ssettag $0x2  }
0xb4: {  	s0 =	rddreg [dreg:$0x0];
	s2 =	stileid.u32  }
0xb5: {  	s1 =	rddreg [dreg:$0x1];
	p0 =	sne.s32 s2, $0x0  }
0xb6: {  	s3 =	rddreg [dreg:$0x2];
	[bflag:$0x3] =	sbarrier.arrive $0xFFFF;
	s2 =	simm.s32 @!p0 $0x1C02  }
0xb7: {  	[timem:s3], [sflag:s2] =	dma.local @!p0 [hbm:s0], s1  }
0xb8: {  	s0 =	simm.s32 @!p0 $0x2  }
0xb9: {  	_ =	swait.ge @!p0 [sflag:s0], s1  }
0xba: {  	s1 =	ssub.s32 @!p0 $0x0, s1;
	[sflag:s0] =	ssyncset.done @!p0 $0x0  }
0xbb: {  	[sflag:s0] =	ssyncadd.s32 @!p0 s1  }
0xbc: {  	[bflag:$0x3] =	sbarrier.arrive $0xFFFF  }
0xbd: {  	_ =	shalt  }

</sc_bundles>
